<compile_context>
chip_gen: v7x
topology: tpu7x:2x2x1
jax: 0.10.2.dev20260603
libtpu: 0.0.44.dev20260713+nightly
codegen_flags: <defaults>
</compile_context>

<pallas_src>
import jax
import jax.numpy as jnp
from jax.experimental import pallas as pl

_STEPLIM = 10
_TOL = 1e-4
_N = 2048
_B = 1024
_NB = _N // _B


def _knn_body(a_ref, b_ref, val_ref, idx_ref):
    a = a_ref[0]
    bt = b_ref[0]
    acc = None
    for c in range(3):
        d = a[:, c:c + 1] - bt[c:c + 1, :]
        acc = d * d if acc is None else acc + d * d
    m = jnp.min(acc, axis=1, keepdims=True)
    val_ref[0, 0, 0, :] = jnp.sqrt(m[:, 0])

    @pl.when(pl.program_id(0) == 1)
    def _():
        idx = jnp.argmin(acc, axis=1)
        idx_ref[0, 0, 0, :] = idx.astype(jnp.int32)


def _knn_pallas(temppc, p2t):
    out_shape = (
        jax.ShapeDtypeStruct((2, _NB, 1, _B), jnp.float32),
        jax.ShapeDtypeStruct((2, _NB, 1, _B), jnp.int32),
    )
    vals, idx = pl.pallas_call(
        _knn_body,
        grid=(2, _NB),
        in_specs=[
            pl.BlockSpec((1, _B, 3), lambda b, i: (b, i, 0)),
            pl.BlockSpec((1, 3, _N), lambda b, i: (b, 0, 0)),
        ],
        out_specs=[
            pl.BlockSpec((1, 1, 1, _B), lambda b, i: (b, i, 0, 0)),
            pl.BlockSpec((1, 1, 1, _B), lambda b, i: (b, i, 0, 0)),
        ],
        out_shape=out_shape,
    )(temppc, p2t)
    return vals.reshape(2, _N), idx.reshape(2, _N)


def _points_xform(p1, p2):
    c1 = jnp.mean(p1, axis=-2, keepdims=True)
    c2 = jnp.mean(p2, axis=-2, keepdims=True)
    q1 = p1 - c1
    q2 = p2 - c2
    H = jnp.einsum('...ni,...nj->...ij', q1, q2)
    U, S, Vh = jnp.linalg.svd(H, full_matrices=False)
    V = jnp.swapaxes(Vh, -1, -2)
    Ut = jnp.swapaxes(U, -1, -2)
    d = jnp.linalg.det(jnp.matmul(V, Ut))
    ones = jnp.ones_like(d)
    diagv = jnp.stack([ones, ones, d], axis=-1)
    R = jnp.matmul(V * diagv[..., None, :], Ut)
    t = c2[..., 0, :] - jnp.einsum('...ij,...j->...i', R, c1[..., 0, :])
    return R, t


def _apply_xform(R, t, pts):
    return jnp.einsum('...ij,...nj->...ni', R, pts) + t[..., None, :]


def _to_homog(R, t):
    top = jnp.concatenate([R, t[..., :, None]], axis=-1)
    bottom = jnp.broadcast_to(
        jnp.array([0.0, 0.0, 0.0, 1.0], dtype=R.dtype),
        R.shape[:-2] + (1, 4))
    return jnp.concatenate([top, bottom], axis=-2)


def kernel(p1, p2):
    p2t = jnp.transpose(p2, (0, 2, 1))

    def cond_fun(carry):
        it, err, converged, temppc = carry
        return jnp.logical_and(it <= _STEPLIM, jnp.logical_not(converged))

    def body_fun(carry):
        it, err, converged, temppc = carry
        it = it + 1
        vals, idx = _knn_pallas(temppc, p2t)
        errnew = jnp.sum(jnp.sum(vals, axis=0) / vals.shape[0])
        matched = p2[:, idx[-1], :]
        R, t = _points_xform(temppc, matched)
        temppc = _apply_xform(R, t, temppc)
        converged = jnp.abs(err - errnew) < _TOL
        return (it, errnew, converged, temppc)

    init = (jnp.array(0, dtype=jnp.int32),
            jnp.array(0.0, dtype=p1.dtype),
            jnp.array(False),
            p1)
    it, err, converged, temppc = jax.lax.while_loop(cond_fun, body_fun, init)
    R, t = _points_xform(p1, temppc)
    return _to_homog(R, t)

# --- scband reference (transcript-rebuilt; emitter-appended) ---
"""Pipeline reference for scband-icp-52742198395379 (READ-ONLY COPY).

The authoritative reference and input builder live on the scoring server;
editing this copy changes nothing except your own understanding.
"""

import jax, jax.numpy as jnp
import numpy as np

STEPLIM = 10
TOL = 1e-4

def _knn(pc1, pc2):
    diff = pc1[..., :, None, :] - pc2[..., None, :, :]
    dist = jnp.sqrt(jnp.sum(diff ** 2, axis=-1))
    neg_vals, idx = jax.lax.top_k(-dist, 1)
    return -neg_vals, idx

def _points_transform(p1, p2):
    # Kabsch/SVD rigid alignment: find R, t s.t. R @ p1 + t ~= p2
    c1 = jnp.mean(p1, axis=-2, keepdims=True)
    c2 = jnp.mean(p2, axis=-2, keepdims=True)
    q1 = p1 - c1
    q2 = p2 - c2
    H = jnp.einsum('...ni,...nj->...ij', q1, q2)
    U, S, Vh = jnp.linalg.svd(H, full_matrices=False)
    V = jnp.swapaxes(Vh, -1, -2)
    Ut = jnp.swapaxes(U, -1, -2)
    d = jnp.linalg.det(jnp.matmul(V, Ut))
    ones = jnp.ones_like(d)
    diagv = jnp.stack([ones, ones, d], axis=-1)
    R = jnp.matmul(V * diagv[..., None, :], Ut)
    t = c2[..., 0, :] - jnp.einsum('...ij,...j->...i', R, c1[..., 0, :])
    return R, t

def _apply(R, t, pts):
    return jnp.einsum('...ij,...nj->...ni', R, pts) + t[..., None, :]

def _to_mat(R, t):
    top = jnp.concatenate([R, t[..., :, None]], axis=-1)
    bottom = jnp.broadcast_to(jnp.array([0.0, 0.0, 0.0, 1.0], dtype=R.dtype), R.shape[:-2] + (1, 4))
    return jnp.concatenate([top, bottom], axis=-2)

def setup_inputs(seed: int = 0):
    key = jax.random.key(seed)
    k1, k2 = jax.random.split(key)
    p1 = jax.random.normal(k1, (2, 2048, 3), dtype=jnp.float32)
    p2 = jax.random.normal(k2, (2, 2048, 3), dtype=jnp.float32)
    return {"p1": p1, "p2": p2}

def reference(p1, p2):
    # init_transform treated as identity SE3 (pp.identity_SE3): Act is a no-op
    def cond_fun(carry):
        it, err, converged, temppc = carry
        return jnp.logical_and(it <= STEPLIM, jnp.logical_not(converged))

    def body_fun(carry):
        it, err, converged, temppc = carry
        it = it + 1
        vals, idx = _knn(temppc, p2)
        # faithful to: sum(sum(sum(nn.values) / len(nn.values)))
        errnew = jnp.sum(jnp.sum(vals, axis=0) / vals.shape[0])
        # faithful to original (buggy) p2[:, nn.indices[-1], :].squeeze(-2)
        matched = jnp.squeeze(p2[:, idx[-1], :], axis=-2)
        R, t = _points_transform(temppc, matched)
        temppc = _apply(R, t, temppc)
        converged = jnp.abs(err - errnew) < TOL
        return (it, errnew, converged, temppc)

    init = (jnp.array(0, dtype=jnp.int32),
            jnp.array(0.0, dtype=p1.dtype),
            jnp.array(False),
            p1)
    it, err, converged, temppc = jax.lax.while_loop(cond_fun, body_fun, init)
    R, t = _points_transform(p1, temppc)
    return _to_mat(R, t)

if __name__ == "__main__":
    import jax
    _d = setup_inputs()
    print(jax.jit(kernel)(*tuple(_d.values())))

</pallas_src>

<mosaic_0001>
module attributes {stable_mosaic.version = 14 : i64} {
  func.func @_knn_body(%arg0: i32, %arg1: i32, %arg2: memref<1x1024x3xf32, #tpu.memory_space<vmem>>, %arg3: memref<1x3x2048xf32, #tpu.memory_space<vmem>>, %arg4: memref<1x1x1x1024xf32, #tpu.memory_space<vmem>>, %arg5: memref<1x1x1x1024xi32, #tpu.memory_space<vmem>>) attributes {dimension_semantics = [#tpu.dimension_semantics<arbitrary>, #tpu.dimension_semantics<arbitrary>], iteration_bounds = array<i64: 2, 2>, scalar_prefetch = 0 : i64, scratch_operands = 0 : i64, tpu.core_type = #tpu.core_type<tc>, window_params = [{transform_indices = @transform_0, window_bounds = array<i64: 1, 1024, 3>}, {transform_indices = @transform_1, window_bounds = array<i64: 1, 3, 2048>}, {transform_indices = @transform_2, window_bounds = array<i64: 1, 1, 1, 1024>}, {transform_indices = @transform_3, window_bounds = array<i64: 1, 1, 1, 1024>}]} {
    %get3A = arith.constant 0 : index
    %get3A_0 = arith.constant 0 : index
    %get3A_1 = arith.constant 0 : index
    %get3A_2 = vector.load %arg2[%get3A, %get3A_0, %get3A_1] : memref<1x1024x3xf32, #tpu.memory_space<vmem>>, vector<1x1024x3xf32>
    %get3A_3 = vector.shape_cast %get3A_2 : vector<1x1024x3xf32> to vector<1024x3xf32>
    %get3A_4 = arith.constant 0 : index
    %get3A_5 = arith.constant 0 : index
    %get3A_6 = arith.constant 0 : index
    %get3A_7 = vector.load %arg3[%get3A_4, %get3A_5, %get3A_6] : memref<1x3x2048xf32, #tpu.memory_space<vmem>>, vector<1x3x2048xf32>
    %get3A_8 = vector.shape_cast %get3A_7 : vector<1x3x2048xf32> to vector<3x2048xf32>
    %slice3A = vector.extract_strided_slice %get3A_3 {offsets = [0, 0], sizes = [1024, 1], strides = [1, 1]} : vector<1024x3xf32> to vector<1024x1xf32>
    %slice3A_9 = vector.extract_strided_slice %get3A_8 {offsets = [0, 0], sizes = [1, 2048], strides = [1, 1]} : vector<3x2048xf32> to vector<1x2048xf32>
    %sub3A = vector.broadcast %slice3A : vector<1024x1xf32> to vector<1024x2048xf32>
    %sub3A_10 = vector.broadcast %slice3A_9 : vector<1x2048xf32> to vector<1024x2048xf32>
    %sub3A_11 = arith.subf %sub3A, %sub3A_10 : vector<1024x2048xf32>
    %mul3A = arith.mulf %sub3A_11, %sub3A_11 : vector<1024x2048xf32>
    %slice3A_12 = vector.extract_strided_slice %get3A_3 {offsets = [0, 1], sizes = [1024, 1], strides = [1, 1]} : vector<1024x3xf32> to vector<1024x1xf32>
    %slice3A_13 = vector.extract_strided_slice %get3A_8 {offsets = [1, 0], sizes = [1, 2048], strides = [1, 1]} : vector<3x2048xf32> to vector<1x2048xf32>
    %sub3A_14 = vector.broadcast %slice3A_12 : vector<1024x1xf32> to vector<1024x2048xf32>
    %sub3A_15 = vector.broadcast %slice3A_13 : vector<1x2048xf32> to vector<1024x2048xf32>
    %sub3A_16 = arith.subf %sub3A_14, %sub3A_15 : vector<1024x2048xf32>
    %mul3A_17 = arith.mulf %sub3A_16, %sub3A_16 : vector<1024x2048xf32>
    %add3A = arith.addf %mul3A, %mul3A_17 : vector<1024x2048xf32>
    %slice3A_18 = vector.extract_strided_slice %get3A_3 {offsets = [0, 2], sizes = [1024, 1], strides = [1, 1]} : vector<1024x3xf32> to vector<1024x1xf32>
    %slice3A_19 = vector.extract_strided_slice %get3A_8 {offsets = [2, 0], sizes = [1, 2048], strides = [1, 1]} : vector<3x2048xf32> to vector<1x2048xf32>
    %sub3A_20 = vector.broadcast %slice3A_18 : vector<1024x1xf32> to vector<1024x2048xf32>
    %sub3A_21 = vector.broadcast %slice3A_19 : vector<1x2048xf32> to vector<1024x2048xf32>
    %sub3A_22 = arith.subf %sub3A_20, %sub3A_21 : vector<1024x2048xf32>
    %mul3A_23 = arith.mulf %sub3A_22, %sub3A_22 : vector<1024x2048xf32>
    %add3A_24 = arith.addf %add3A, %mul3A_23 : vector<1024x2048xf32>
    %reduce_min3A = arith.constant dense<0x7F800000> : vector<1024xf32>
    %reduce_min3A_25 = vector.multi_reduction <minimumf>, %add3A_24, %reduce_min3A [1] : vector<1024x2048xf32> to vector<1024xf32>
    %broadcast_in_dim3A = vector.shape_cast %reduce_min3A_25 : vector<1024xf32> to vector<1024x1xf32>
    %squeeze3A = vector.shape_cast %broadcast_in_dim3A : vector<1024x1xf32> to vector<1024xf32>
    %sqrt3A = math.sqrt %squeeze3A : vector<1024xf32>
    %swap3A = arith.constant 0 : index
    %swap3A_26 = arith.constant 0 : index
    %swap3A_27 = arith.constant 0 : index
    %swap3A_28 = arith.constant 0 : index
    %swap3A_29 = vector.load %arg4[%swap3A, %swap3A_26, %swap3A_27, %swap3A_28] : memref<1x1x1x1024xf32, #tpu.memory_space<vmem>>, vector<1x1x1x1024xf32>
    %swap3A_30 = vector.shape_cast %swap3A_29 : vector<1x1x1x1024xf32> to vector<1024xf32>
    %swap3A_31 = vector.shape_cast %sqrt3A : vector<1024xf32> to vector<1x1x1x1024xf32>
    tpu.vector_store %arg4[%swap3A, %swap3A_26, %swap3A_27, %swap3A_28], %swap3A_31 {strides = array<i32>} : memref<1x1x1x1024xf32, #tpu.memory_space<vmem>>, vector<1x1x1x1024xf32>,
    %eq3A = arith.constant 1 : i32
    %eq3A_32 = arith.cmpi eq, %arg0, %eq3A : i32
    %convert_element_type3A = arith.extui %eq3A_32 : i1 to i32
    %cond3A = arith.constant 0 : i32
    %cond3A_33 = arith.cmpi ne, %convert_element_type3A, %cond3A : i32
    scf.if %cond3A_33 {
      %argmin3A = tpu.reduce_index %add3A_24 {axis = 1 : i32, kind = #tpu.reduction_kind<arg_min>} : vector<1024x2048xf32> -> vector<1024xi32>
      %swap3A_34 = arith.constant 0 : index
      %swap3A_35 = arith.constant 0 : index
      %swap3A_36 = arith.constant 0 : index
      %swap3A_37 = arith.constant 0 : index
      %swap3A_38 = vector.load %arg5[%swap3A_34, %swap3A_35, %swap3A_36, %swap3A_37] : memref<1x1x1x1024xi32, #tpu.memory_space<vmem>>, vector<1x1x1x1024xi32>
      %swap3A_39 = vector.shape_cast %swap3A_38 : vector<1x1x1x1024xi32> to vector<1024xi32>
      %swap3A_40 = vector.shape_cast %argmin3A : vector<1024xi32> to vector<1x1x1x1024xi32>
      tpu.vector_store %arg5[%swap3A_34, %swap3A_35, %swap3A_36, %swap3A_37], %swap3A_40 {strides = array<i32>} : memref<1x1x1x1024xi32, #tpu.memory_space<vmem>>, vector<1x1x1x1024xi32>,
    } else {
    }
    return
  }
  func.func @transform_0(%arg0: i32, %arg1: i32) -> (i32, i32, i32) {
    %c0_i32 = arith.constant 0 : i32
    %c0_i32_0 = arith.constant 0 : i32
    return %arg0, %arg1, %c0_i32 : i32, i32, i32
  }
  func.func @transform_1(%arg0: i32, %arg1: i32) -> (i32, i32, i32) {
    %c0_i32 = arith.constant 0 : i32
    %c0_i32_0 = arith.constant 0 : i32
    %c0_i32_1 = arith.constant 0 : i32
    return %arg0, %c0_i32, %c0_i32_0 : i32, i32, i32
  }
  func.func @transform_2(%arg0: i32, %arg1: i32) -> (i32, i32, i32, i32) {
    %c0_i32 = arith.constant 0 : i32
    %c0_i32_0 = arith.constant 0 : i32
    %c0_i32_1 = arith.constant 0 : i32
    return %arg0, %arg1, %c0_i32, %c0_i32_0 : i32, i32, i32, i32
  }
  func.func @transform_3(%arg0: i32, %arg1: i32) -> (i32, i32, i32, i32) {
    %c0_i32 = arith.constant 0 : i32
    %c0_i32_0 = arith.constant 0 : i32
    %c0_i32_1 = arith.constant 0 : i32
    return %arg0, %arg1, %c0_i32, %c0_i32_0 : i32, i32, i32, i32
  }
}

</mosaic_0001>

<sc_bundles>
// kernel: gather_offload_async_start
scs
__scs_entry_jumppad:
0x0: {  	(pc) =	sbr.rel $0x88, $3  }
0x1: {  	(tag) =	ssettag $0x0;
	lr =	simm.s32 $0x1  }
0x2: {  	[smem:$0x3F9F] =	sst lr;
	_ =	strace $0xD0000000  }
0x3: {  	_ = 	snop  }
0x4: {  	_ = 	snop  }
0x5: {  	_ = 	snop  }
0x6: {  	_ = 	snop  }
0x7: {  	_ = 	snop  }
__scs_overlays_trampoline_lowered:
0x8: {  	[smem:$0x3FAE] =	sst s0  }
0x9: {  	[smem:$0x3FAF] =	sst s1  }
0xa: {  	[smem:$0x3FB0] =	sst s2  }
0xb: {  	[smem:$0x3FB1] =	sst s3  }
0xc: {  	[smem:$0x3FB2] =	sst s4  }
0xd: {  	[smem:$0x3FB3] =	sst s5  }
0xe: {  	[smem:$0x3FB4] =	sst s6  }
0xf: {  	[smem:$0x3FB5] =	sst s7  }
0x10: {  	[smem:$0x3FB6] =	sst s8  }
0x11: {  	[smem:$0x3FB7] =	sst s9;
	s0 =	simm.s32 @!p0 $0x0  }
0x12: {  	s1 =	sld [smem:$0x3F9D];
	s0 =	simm.s32 @p0 $0x1  }
0x13: {  	[smem:$0x3FB8] =	sst s0;
	s0 =	simm.s32 @!p1 $0x0  }
0x14: {  	s2 =	sld [smem:$0x3F9C];
	s0 =	simm.s32 @p1 $0x1  }
0x15: {  	[smem:$0x3FB9] =	sst s0;
	s0 =	simm.s32 @!p2 $0x0  }
0x16: {  	s3 =	sld [smem:$0x3FDB];
	s0 =	simm.s32 @p2 $0x1  }
0x17: {  	s4 =	simm.s32 $0x1BF5;
	[smem:$0x3FBB] =	sst s0  }
0x18: {  	s0 =	sld [smem:$0x3F9E];
	_ =	swait.ge [sflag:s4], $0x0  }
0x19: {  	s7 =	sld [smem:$0x3F9F]  }
0x1a: {  	s8 =	sadd.s32 $0xFFFFE003, lr  }
0x1b: {  	s9 =	sadd.s32 $0xFFFFFEF7, lr;
	s5 =	simm.s32 $0xFFFFFFFF;
	p2 =	slt.u32 s8, $0xFFFFF086  }
0x1c: {  	p1 =	slt.u32 s9, $0xF7A;
	s5 =	simm.s32 @!p2 $0x0  }
0x1d: {  	s5 =	simm.s32 @p1 $0x1;
	p0 =	seq.s32 s7, s2  }
0x1e: {  	s7 =	smul.u32 @!p0 $0xF7A, s2;
	p2 =	seq.s32 @!p0 s5, $0x0  }
0x1f: {  	s9 =	smul.u32 $0xF7A, s1;
	s8 =	simm.s32 @!p0 $0x1BF5;
	p2 =	por !p2, p0  }
0x20: {  	[sflag:s8] =	ssyncset.s32 @!p0 $0xFFFFF086;
	s6 =	sadd.s32 @!p0 s3, s7;
	s7 =	simm.s32 @!p0 $0x108  }
0x21: {  	s3 =	sadd.s32 s3, s9;
	s6 =	sadd.s32 @!p0 $0x88, s6;
	s7 =	simm.s32 @p2 $0x1082  }
0x22: {  	[simem:s7], [sflag:s8] =	dma.local @!p0 [hbm:s6], $0xF7A  }
0x23: {  	s9 =	sor.u32 $0xD0000000, s2;
	s6 =	simm.s32 $0x108;
	_ =	swait.ge @!p0 [sflag:s8], $0x0  }
0x24: {  	s3 =	sadd.s32 $0x88, s3;
	s6 =	simm.s32 @!p1 $0x1082;
	[sflag:s4] =	ssyncset.s32 $0xFFFFF086  }
0x25: {  	[simem:s6], [sflag:s4] =	dma.local [hbm:s3], $0xF7A  }
0x26: {  	[smem:$0x3F9F] =	sst s1;
	(tag) =	ssettag s2;
	_ =	strace s9  }
0x27: {  	s1 =	sld [smem:$0x3FAF]  }
0x28: {  	s2 =	sld [smem:$0x3FB0]  }
0x29: {  	s4 =	sld [smem:$0x3FB2]  }
0x2a: {  	p0 =	seq.s32 s5, $0x0;
	s5 =	sld [smem:$0x3FB3]  }
0x2b: {  	s6 =	sld [smem:$0x3FB4]  }
0x2c: {  	s7 =	sld [smem:$0x3FB5]  }
0x2d: {  	s3 =	simm.s32 $0x108;
	s8 =	sld [smem:$0x3FB6]  }
0x2e: {  	s3 =	simm.s32 @!p0 $0x1082;
	s9 =	sld [smem:$0x3FB7]  }
0x2f: {  	lr =	sadd.s32 s0, s3;
	s0 =	sld [smem:$0x3FAE]  }
0x30: {  	s3 =	sld [smem:$0x3FB1]  }
0x31: {  	[smem:$0x3FBA] =	sst s10  }
0x32: {  	s10 =	sld [smem:$0x3FB8];
	_ =	sdelay $0x3  }
0x33: {  	p0 =	seq.s32 s10, $0x1;
	s10 =	sld [smem:$0x3FBA];
	_ =	sdelay $0x3  }
0x34: {  	[smem:$0x3FBA] =	sst s10  }
0x35: {  	s10 =	sld [smem:$0x3FB9];
	_ =	sdelay $0x3  }
0x36: {  	p1 =	seq.s32 s10, $0x1;
	s10 =	sld [smem:$0x3FBA];
	_ =	sdelay $0x3  }
0x37: {  	[smem:$0x3FBA] =	sst s10  }
0x38: {  	s10 =	sld [smem:$0x3FBB]  }
0x39: {  	_ = 	snop;
	(pc) =	sbr.ind lr, $3  }
0x3a: {  	_ = 	snop  }
0x3b: {  	_ = 	snop  }
0x3c: {  	p2 =	seq.s32 s10, $0x1;
	s10 =	sld [smem:$0x3FBA]  }
0x3d: {  	_ =	shalt  }
0x3e: {  	_ =	shalt  }
0x3f: {  	_ =	shalt  }
0x40: {  	_ =	shalt  }
0x41: {  	_ =	shalt  }
0x42: {  	_ =	shalt  }
0x43: {  	_ =	shalt  }
0x44: {  	_ =	shalt  }
0x45: {  	_ =	shalt  }
0x46: {  	_ =	shalt  }
0x47: {  	_ =	shalt  }
0x48: {  	_ =	shalt  }
0x49: {  	_ =	shalt  }
0x4a: {  	_ =	shalt  }
0x4b: {  	_ =	shalt  }
0x4c: {  	_ =	shalt  }
0x4d: {  	_ =	shalt  }
0x4e: {  	_ =	shalt  }
0x4f: {  	_ =	shalt  }
0x50: {  	_ =	shalt  }
0x51: {  	_ =	shalt  }
0x52: {  	_ =	shalt  }
0x53: {  	_ =	shalt  }
0x54: {  	_ =	shalt  }
0x55: {  	_ =	shalt  }
0x56: {  	_ =	shalt  }
0x57: {  	_ =	shalt  }
0x58: {  	_ =	shalt  }
0x59: {  	_ =	shalt  }
0x5a: {  	_ =	shalt  }
0x5b: {  	_ =	shalt  }
0x5c: {  	_ =	shalt  }
0x5d: {  	_ =	shalt  }
0x5e: {  	_ =	shalt  }
0x5f: {  	_ =	shalt  }
0x60: {  	_ =	shalt  }
0x61: {  	_ =	shalt  }
0x62: {  	_ =	shalt  }
0x63: {  	_ =	shalt  }
0x64: {  	_ =	shalt  }
0x65: {  	_ =	shalt  }
0x66: {  	_ =	shalt  }
0x67: {  	_ =	shalt  }
0x68: {  	_ =	shalt  }
0x69: {  	_ =	shalt  }
0x6a: {  	_ =	shalt  }
0x6b: {  	_ =	shalt  }
0x6c: {  	_ =	shalt  }
0x6d: {  	_ =	shalt  }
0x6e: {  	_ =	shalt  }
0x6f: {  	_ =	shalt  }
0x70: {  	_ =	shalt  }
0x71: {  	_ =	shalt  }
0x72: {  	_ =	shalt  }
0x73: {  	_ =	shalt  }
0x74: {  	_ =	shalt  }
0x75: {  	_ =	shalt  }
0x76: {  	_ =	shalt  }
0x77: {  	_ =	shalt  }
0x78: {  	_ =	shalt  }
0x79: {  	_ =	shalt  }
0x7a: {  	_ =	shalt  }
0x7b: {  	_ =	shalt  }
0x7c: {  	_ =	shalt  }
0x7d: {  	_ =	shalt  }
0x7e: {  	_ =	shalt  }
0x7f: {  	_ =	shalt  }
0x80: {  	_ =	shalt  }
0x81: {  	_ =	shalt  }
0x82: {  	_ =	shalt  }
0x83: {  	_ =	shalt  }
0x84: {  	_ =	shalt  }
0x85: {  	_ =	shalt  }
0x86: {  	_ =	shalt  }
0x87: {  	_ =	shalt  }
.Lfunc_end0:
.L_simem_size_0:
called_computation_lowered:
.L_overlay_start_0:
0x88: {  	s2 =	sld [smem:$0x3FD9]  }
0x89: {  	s3 =	sld [smem:$0x3FFE];
	_ =	sdelay $0x1  }
0x8a: {  	s1 =	srdreg.scid  }
0x8b: {  	s0 =	sand.u32 $0x1, s1  }
0x8c: {  	s16 =	sshll.u32 s0, $0xA;
	s2 =	sadd.s32 s3, s2  }
0x8d: {  	s2 =	sadd.s32 s2, s16  }
0x8e: {  	[smem:$0x3FC6] =	sst s2  }
0x8f: {  	_ = 	snop  }
0x90: {  	(tm) =	ssettm $0x1  }
0x91: {  	s17 =	sld [smem:$0x3FFB];
	_ =	sdelay $0x3  }
0x92: {  	_ =	strace s17  }
0x93: {  	s2 =	sld [smem:$0x3FFC];
	_ =	sdelay $0x3  }
0x94: {  	_ =	strace s2  }
0x95: {  	s2 =	sld [smem:$0x3FFD];
	_ =	sdelay $0x3  }
0x96: {  	_ =	strace s2  }
0x97: {  	_ =	strace $0x8FFFFFFF  }
0x98: {  	s18 =	sld [smem:$0x3FDB];
	_ =	sdelay $0x1  }
0x99: {  	s19 =	simm.s32 $_scs_section_size  }
0x9a: {  	s4 =	simm.s32 $_size__tile_overlayer_lowered;
	s5 =	simm.s32 $_tile_overlayer_lowered  }
0x9b: {  	s22 =	simm.s32 $0x1BFF;
	s21 =	sshll.u32 s5, $0x1;
	s2 =	sadd.s32 s19, s18  }
0x9c: {  	s6 =	simm.s32 $0x0;
	s20 =	sshll.u32 s4, $0x1;
	s4 =	sadd.s32 s21, s2  }
0x9d: {  	[timem:s6], [sflag:s22] =	dma.local [hbm:s4], s20  }
0x9e: {  	_ =	swait.ge [sflag:s22], s20  }
0x9f: {  	s3 =	ssub.s32 $0x0, s20;
	[sflag:s22] =	ssyncset.done $0x0  }
0xa0: {  	[sflag:s22] =	ssyncadd.s32 s3;
	_ =	sdelay $0x1  }
0xa1: {  	s23 =	simm.s32 $0x1B8B  }
0xa2: {  	_ =	swait.ge [sflag:s23], $0x1  }
0xa3: {  	[sflag:s23] =	ssyncset.done $0x0  }
0xa4: {  	s25 =	simm.s32 $0x1B8E;
	s24 =	sld [smem:$0x3FFE];
	[sflag:s23] =	ssyncadd.s32 $0xFFFFFFFF  }
0xa5: {  	s26 =	simm.s32 $execute0_lowered;
	[smem:$0x3FD2] =	sst s25  }
0xa6: {  	s4 =	sshll.u32 s26, $0x1;
	_ =	strace $0x80000046;
	[dreg:$0x1] =	wrdreg $0xFFFFFFFF  }
0xa7: {  	s28 =	simm.s32 $_size_execute0_lowered;
	s2 =	sadd.s32 s2, s4;
	[dreg:$0x0] =	wrdreg $0x0  }
0xa8: {  	s4 =	sshll.u32 s28, $0x1;
	[dreg:$0x2] =	wrdreg s2  }
0xa9: {  	[dreg:$0x3] =	wrdreg s4  }
0xaa: {  	[dreg:$0x4] =	wrdreg $0xC0  }
0xab: {  	_ =	task [dreg:s6], $0x5FFFF  }
0xac: {  	[dreg:$0x1] =	wrdreg $0xFFFFFFFF  }
0xad: {  	[dreg:$0x0] =	wrdreg $0x60  }
0xae: {  	[dreg:$0x2] =	wrdreg s24  }
0xaf: {  	[dreg:$0x3] =	wrdreg $0x9  }
0xb0: {  	_ =	task.clear_ibuf [dreg:s6], $0x4FFFF;
	_ =	strace $0x90000046  }
0xb1: {  	s29 =	simm.s32 $0x9;
	_ =	strace $0x80000048  }
0xb2: {  	_ =	swait.ge [sflag:s29], $0x1  }
0xb3: {  	[sflag:s29] =	ssyncadd.s32 $0xFFFFFFFF  }
0xb4: {  	_ =	strace $0x90000048  }
0xb5: {  	_ =	sfence  }
0xb6: {  	s30 =	sld [smem:$0x0];
	_ =	sdelay $0x2  }
0xb7: {  	s31 =	sshll.u32 s1, $0xD;
	s1 =	sshrl.u32 s1, $0x2  }
0xb8: {  	s3 =	sand.u32 $0x4000, s31;
	s1 =	sadd.s32 s1, s30  }
0xb9: {  	s0 =	sor.u32 s3, s0;
	s1 =	sshll.u32 s1, $0x11  }
0xba: {  	s0 =	sor.u32 s1, s0  }
0xbb: {  	s0 =	sadd.s32 $0x8F2B, s0  }
0xbc: {  	[sflag:s0] =	ssyncadd.remote.s32 $0x1  }
0xbd: {  	_ =	sfence.sel $0xFFFF  }
0xbe: {  	[dreg:$0x0] =	wrdreg $0xFFFFFFFF;
	(pc) =	sbr.abs _section_cstart, $3  }
0xbf: {  	[dreg:$0x1] =	wrdreg $0xFFFFFFFF  }
0xc0: {  	_ =	task.clear_ibuf [dreg:s6], $0x2FFFF;
	_ =	strace $0x9FFFFFFF  }
0xc1: {  	(tm) =	ssettm $0x7FFFFFFF  }
tec
execute0_lowered:
.L_overlay_start_1:
0x0: {  	(tag) =	ssettag $0x1  }
0x1: {  	s0 =	srdreg.scid  }
0x2: {  	s1 =	sshll.u32 s0, $0x4  }
0x3: {  	s0 =	stileid.u32;
	s1 =	sand.u32 $0x10, s1  }
0x4: {  	s2 =	sor.u32 s0, s1  }
0x5: {  	s1 =	sshll.u32 s1, $0x3;
	s2 =	smin.u32 s2, $0x10  }
0x6: {  	s9 =	rddreg [dreg:$0x0];
	s1 =	sxor.u32 $0x80, s1;
	s2 =	sshll.u32 s2, $0x7  }
0x7: {  	s6 =	simm.s32 $0x1;
	s7 =	simm.s32 $0x2;
	s1 =	sadd.s32 s1, s2  }
0x8: {  	s10 =	simm.s32 $0x3;
	s13 =	simm.s32 $0x0;
	s3 =	smin.u32 s1, $0x800  }
0x9: {  	s12 =	simm.s32 $0x0;
	s4 =	sadd.s32 $0x800, s9;
	s8 =	ssub.s32 s3, s2  }
.Ltmp0:
0xa: {  	s5 =	sadd.s32 $0x10C00, s9;
	p0 =	sgt.s32 s8, $0x0;
	(pc) =	sbr.rel .LBB2_1-.Ltmp0, $4  }
0xb: {  	s1 =	rddreg [dreg:$0x1];
	_ =	strace $0x80000047;
	s8 =	simm.s32 @!p0 $0x0  }
0xc: {  	s9 =	sadd.s32 $0x10E00, s9;
	[sflag:s6] =	ssyncpa.u1 $0x0;
	s8 =	sadd.s32 $0x7F, s8  }
0xd: {  	s11 =	smov.u32 s2;
	[sflag:s7] =	ssyncpa.u1 $0x0;
	s8 =	sshrl.u32 s8, $0x7  }
0xe: {  	vm0 =	vmmov $0xffff;
	[sflag:s10] =	ssyncpa.u1 $0x0;
	p0 =	por $0x0, $0x0;
	s10 =	sadd.s32 $0x1, s8  }
.LBB2_6:
0xf: {  	[hbm:s17] =	stream.linear.scatter [tilespmem:s14], [sflag:$0x3], $0x100, $0x38;
	[tilespmem:$0x10100] =	vst v63  }
.LBB2_7:
0x10: {  	s13 =	sadd.s32 $0x80, s11  }
0x11: {  	s15 =	smov.u32 s2;
	p2 =	slt.s32 s13, s3  }
0x12: {  	s15 =	smov.u32 @p2 s13;
	p2 =	sne.s32 s12, s10  }
.Ltmp1:
0x13: {  	p1 =	slt.u32 s12, $0x2;
	(pc) =	sbr.rel @!p2 .LBB2_8-.Ltmp1, $4  }
0x14: {  	s14 =	simm.s32 @!p1 $0x3  }
0x15: {  	s16 =	sadd.s32 $0x1, s12;
	_ =	swait.ge @!p1 [sflag:s14], $0x8000  }
0x16: {  	p0 =	por !p0, !p0;
	s13 =	smov.u32 s11;
	[sflag:s14] =	ssyncset.done @!p1 $0x0  }
0x17: {  	s12 =	smov.u32 s16;
	s11 =	smov.u32 s15;
	[sflag:s14] =	ssyncadd.s32 @!p1 $0xFFFF8000  }
.LBB2_1:
0x18: {  	p1 =	sge.u32 s12, s8  }
0x19: {  	s14 =	sxor.u32 @!p1 $0xFFFFFFFF, s12  }
0x1a: {  	s31 =	sadd.s32 $0xFFFFFFFF, s12;
	s15 =	sshrl.u32 @!p1 s11, $0x3;
	s14 =	sshll.u32 @!p1 s14, $0x7  }
0x1b: {  	s16 =	sand.u32 @!p1 $0x7, s11;
	s15 =	sadd.s32 @!p1 s5, s15;
	s14 =	sand.u32 @!p1 $0x80, s14  }
0x1c: {  	[tilespmem:s14], [sflag:$0x2] =	stream.linear.gather @!p1 [hbm4b:s15+s16], $0x80, $0x38;
	[tilespmem:$0x10100] =	vst v63  }
0x1d: {  	p1 =	sge.u32 s31, s8  }
.Ltmp2:
0x1e: {  	_ = 	snop;
	(pc) =	sbr.rel @p1 .LBB2_7-.Ltmp2, $1  }
0x1f: {  	_ =	sdelay $0x3  }
0x20: {  	s14 =	simm.s32 $0x1  }
0x21: {  	_ =	swait.ge [sflag:s7], $0x80;
	s14 =	simm.s32 @!p0 $0x0  }
0x22: {  	[sflag:s7] =	ssyncset.done $0x0;
	s15 =	sshll.u32 s14, $0x7  }
0x23: {  	[sflag:s7] =	ssyncadd.s32 $0xFFFFFF80;
	s16 =	sadd.s32 $0x0, s15  }
0x24: {  	v0 =	vld.msk [tilespmem:s16+$0x0 ss:$0x1], $0xffff;
	_ =	sdelay $0x4  }
0x25: {  	vm1 =	vgt.s32 v0, $0x0  }
0x26: {  	v0 =	vnsel vm1, $0x0, v0  }
0x27: {  	v0 =	vmin.u32 v0, $0x7FF  }
0x28: {  	v0 =	vshll.u32 v0, $0x5;
	_ =	sdelay $0x2  }
0x29: {  	s14 =	sshll.u32 s14, $0xF  }
0x2a: {  	s14 =	sor.u32 $0x100, s14;
	s31 =	sadd.s32 $0x10, s15  }
0x2b: {  	[tilespmem:s14], [sflag:$0x1] =	stream.indirect_vreg.gather [hbm:s4], $0x100, v0, vm0, $0x38;
	[tilespmem:$0x10100] =	vst v63  }
0x2c: {  	s17 =	simm.s32 $0x80;
	s16 =	smov.u32 s14;
	v0 =	vld.msk [tilespmem:s31+$0x0 ss:$0x1], $0xffff  }
.LBB2_3:
0x2d: {  	p1 =	sne.s32 s17, $0x1C0;
	_ =	sdelay $0x4  }
0x2e: {  	vm1 =	vgt.s32 v0, $0x0  }
0x2f: {  	v0 =	vnsel vm1, $0x0, v0  }
0x30: {  	v0 =	vmin.u32 v0, $0x7FF  }
0x31: {  	v0 =	vshll.u32 v0, $0x5;
	_ =	sdelay $0x1  }
.Ltmp3:
0x32: {  	(pc) =	sbr.rel @p1 .LBB2_3-.Ltmp3, $4  }
0x33: {  	s18 =	sshra.s32 s17, $0x2  }
0x34: {  	s16 =	sadd.s32 $0x1000, s16;
	s18 =	sadd.s32 s18, s15  }
0x35: {  	[tilespmem:s16], [sflag:$0x1] =	stream.indirect_vreg.gather [hbm:s4], $0x100, v0, vm0, $0x38;
	[tilespmem:$0x10100] =	vst v63  }
0x36: {  	s17 =	sadd.s32 $0x40, s17;
	v0 =	vld.msk [tilespmem:s18+$0x0 ss:$0x1], $0xffff  }
0x37: {  	_ =	sdelay $0x3  }
0x38: {  	vm1 =	vgt.s32 v0, $0x0  }
0x39: {  	v0 =	vnsel vm1, $0x0, v0  }
0x3a: {  	v0 =	vmin.u32 v0, $0x7FF  }
0x3b: {  	v0 =	vshll.u32 v0, $0x5;
	_ =	sdelay $0x3  }
0x3c: {  	s15 =	sadd.s32 $0x1000, s16  }
0x3d: {  	[tilespmem:s15], [sflag:$0x1] =	stream.indirect_vreg.gather [hbm:s4], $0x100, v0, vm0, $0x38;
	[tilespmem:$0x10100] =	vst v63  }
0x3e: {  	s13 =	sshll.u32 s13, $0x5;
	_ =	swait.ge [sflag:s6], $0x8000  }
0x3f: {  	s16 =	sadd.s32 $0x100, s14;
	s13 =	sadd.s32 s13, s9;
	[sflag:s6] =	ssyncset.done $0x0  }
0x40: {  	s17 =	sadd.s32 $0x0, s13;
	s15 =	simm.s32 $0x20;
	[sflag:s6] =	ssyncadd.s32 $0xFFFF8000  }
.LBB2_5:
0x41: {  	[hbm:s17] =	stream.linear.scatter [tilespmem:s14], [sflag:$0x3], $0x100, $0x38;
	[tilespmem:$0x10100] =	vst v63  }
0x42: {  	s17 =	smov.u32 s15;
	s14 =	smov.u32 s16;
	p1 =	sne.s32 s15, $0xFE0  }
.Ltmp4:
0x43: {  	s15 =	sadd.s32 $0x20, s15;
	(pc) =	sbr.rel @p1 .LBB2_5-.Ltmp4, $2  }
0x44: {  	_ =	sdelay $0x2  }
0x45: {  	s16 =	sadd.s32 $0x100, s16;
	s17 =	sadd.s32 s17, s13  }
.Ltmp5:
0x46: {  	_ = 	snop;
	(pc) =	sbr.rel .LBB2_6-.Ltmp5, $1  }
0x47: {  	_ =	sdelay $0x3  }
.LBB2_8:
0x48: {  	_ =	sfence.sel $0x180000  }
0x49: {  	s2 =	simm.s32 $0x2;
	[bflag:$0x0] =	sbarrier.arrive $0xFFFF  }
0x4a: {  	s30 =	simm.s32 $0x3;
	[sflag:s2] =	ssyncpa.u1 $0x1  }
0x4b: {  	s31 =	simm.s32 $0x1;
	[sflag:s30] =	ssyncpa.u1 $0x1  }
0x4c: {  	[sflag:s31] =	ssyncpa.u1 $0x1  }
0x4d: {  	p0 =	sne.s32 s0, $0x0;
	_ =	strace $0x90000047  }
0x4e: {  	s0 =	sadd.s32 @!p0 $0x100000, s1;
	[bflag:$0x2] =	sbarrier.arrive $0xFFFF  }
0x4f: {  	[sflag:s0] =	ssyncadd.tile.s32 @!p0 $0x1;
	_ =	shalt  }
.Lfunc_end2:
_tile_overlayer_lowered:
.L_overlay_start_2:
0x50: {  	(tag) =	ssettag $0x2  }
0x51: {  	s0 =	rddreg [dreg:$0x0];
	s2 =	stileid.u32  }
0x52: {  	s1 =	rddreg [dreg:$0x1];
	p0 =	sne.s32 s2, $0x0  }
0x53: {  	s3 =	rddreg [dreg:$0x2];
	[bflag:$0x3] =	sbarrier.arrive $0xFFFF;
	s2 =	simm.s32 @!p0 $0x1C01  }
0x54: {  	[timem:s3], [sflag:s2] =	dma.local @!p0 [hbm:s0], s1  }
0x55: {  	s0 =	simm.s32 @!p0 $0x1  }
0x56: {  	_ =	swait.ge @!p0 [sflag:s0], s1  }
0x57: {  	s1 =	ssub.s32 @!p0 $0x0, s1;
	[sflag:s0] =	ssyncset.done @!p0 $0x0  }
0x58: {  	[sflag:s0] =	ssyncadd.s32 @!p0 s1  }
0x59: {  	[bflag:$0x3] =	sbarrier.arrive $0xFFFF  }
0x5a: {  	_ =	shalt  }

</sc_bundles>
